<compile_context>
chip_gen: v7x
topology: tpu7x:2x2x1
jax: 0.10.2.dev20260603
libtpu: 0.0.44.dev20260713+nightly
codegen_flags: <defaults>
</compile_context>

<pallas_src>
import functools

import jax
import jax.numpy as jnp
from jax import lax
from jax.experimental import pallas as pl
from jax.experimental.pallas import tpu as pltpu
from jax.experimental.pallas import tpu_sc as plsc

_B, _S, _D = 4, 4096, 2048
_NW = 32
_SROWS_PER_W = _S // _NW
_R = 8
_CHUNK = _R * _D
_NCHUNKS = _SROWS_PER_W // _R
_BSTRIDE = _S * _D
_SC_BATCH = 3


def _sc_add_b3(x_hbm, pos_hbm, out_hbm,
               xb0, xb1, xb2, xb3, pb0, pb1,
               xs0, xs1, xs2, xs3, os0, os1, os2, os3, ps0, ps1):
    xbufs = (xb0, xb1, xb2, xb3)
    pbufs = (pb0, pb1)
    xsems = (xs0, xs1, xs2, xs3)
    osems = (os0, os1, os2, os3)
    psems = (ps0, ps1)

    c = lax.axis_index("c")
    s = lax.axis_index("s")
    wid = s * 2 + c
    s_base = wid * (_SROWS_PER_W * _D)
    x_base = _SC_BATCH * _BSTRIDE + s_base

    def issue_xin(k, slot):
        pltpu.async_copy(
            x_hbm.at[pl.ds(pl.multiple_of(x_base + k * _CHUNK, 8), _CHUNK)],
            xbufs[slot], xsems[slot])

    def wait_xin(slot):
        pltpu.make_async_copy(x_hbm.at[pl.ds(0, _CHUNK)], xbufs[slot],
                              xsems[slot]).wait()

    def issue_out(k, slot):
        pltpu.async_copy(
            xbufs[slot],
            out_hbm.at[pl.ds(pl.multiple_of(s_base + k * _CHUNK, 8), _CHUNK)],
            osems[slot])

    def wait_out(slot):
        pltpu.make_async_copy(xbufs[slot], out_hbm.at[pl.ds(0, _CHUNK)],
                              osems[slot]).wait()

    def issue_pos(k, slot):
        pltpu.async_copy(
            pos_hbm.at[pl.ds(pl.multiple_of(s_base + k * _CHUNK, 8), _CHUNK)],
            pbufs[slot], psems[slot])

    def wait_pos(slot):
        pltpu.make_async_copy(pos_hbm.at[pl.ds(0, _CHUNK)], pbufs[slot],
                              psems[slot]).wait()

    issue_pos(0, 0)
    issue_pos(1, 1)
    issue_xin(0, 0)
    issue_xin(1, 1)

    def group(kp, carry):
        for kk in range(4):
            k = 4 * kp + kk
            pslot = kk % 2
            nslot = (kk + 2) % 4
            wait_pos(pslot)
            if kk < 2:
                @pl.when(kp > 0)
                def _():
                    wait_out(nslot)
                issue_xin(k + 2, nslot)
            else:
                wait_out(nslot)
                @pl.when(kp < _NCHUNKS // 4 - 1)
                def _():
                    issue_xin(k + 2, nslot)

            wait_xin(kk)
            xbuf = xbufs[kk]
            pbuf = pbufs[pslot]

            def add_body(i, c2):
                base = i * 64
                for u in range(4):
                    sl = pl.ds(base + u * 16, 16)
                    plsc.addupdate(xbuf.at[sl], pbuf[sl])
                return c2

            lax.fori_loop(0, _CHUNK // 64, add_body, 0)
            issue_out(k, kk)

            if kk >= 2:
                @pl.when(kp < _NCHUNKS // 4 - 1)
                def _():
                    issue_pos(k + 2, pslot)
            else:
                issue_pos(k + 2, pslot)
        return carry

    lax.fori_loop(0, _NCHUNKS // 4, group, 0)

    wait_out(2)
    wait_out(3)


_sc_kernel_b3 = functools.partial(
    pl.kernel,
    mesh=plsc.VectorSubcoreMesh(core_axis_name="c", subcore_axis_name="s"),
    out_type=jax.ShapeDtypeStruct((_S * _D,), jnp.float32),
    scratch_types=(
        [pltpu.VMEM((_CHUNK,), jnp.float32) for _ in range(6)]
        + [pltpu.SemaphoreType.DMA for _ in range(10)]
    ),
)(_sc_add_b3)


def _tc_body(x_ref, pos_ref, o_ref):
    o_ref[...] = x_ref[...] + pos_ref[...]


def _tc_part(x, pos_table):
    ntc = _B - 1
    bs = 512
    return pl.pallas_call(
        _tc_body,
        grid=(_S // bs, ntc),
        in_specs=[
            pl.BlockSpec((1, bs, _D), lambda i, b: (b, i, 0)),
            pl.BlockSpec((bs, _D), lambda i, b: (i, 0)),
        ],
        out_specs=pl.BlockSpec((1, bs, _D), lambda i, b: (b, i, 0)),
        out_shape=jax.ShapeDtypeStruct((ntc, _S, _D), x.dtype),
    )(x, pos_table)


def _sc_noop(x_hbm, pos_hbm, out_hbm, buf, sem):
    c = lax.axis_index("c")
    s = lax.axis_index("s")
    wid = s * 2 + c
    base = wid * _CHUNK
    pltpu.async_copy(x_hbm.at[pl.ds(base, _CHUNK)], buf, sem)
    pltpu.make_async_copy(x_hbm.at[pl.ds(0, _CHUNK)], buf, sem).wait()
    pltpu.async_copy(buf, out_hbm.at[pl.ds(base, _CHUNK)], sem)
    pltpu.make_async_copy(buf, out_hbm.at[pl.ds(0, _CHUNK)], sem).wait()


_sc_noop_kernel = functools.partial(
    pl.kernel,
    mesh=plsc.VectorSubcoreMesh(core_axis_name="c", subcore_axis_name="s"),
    out_type=jax.ShapeDtypeStruct((_S * _D,), jnp.float32),
    scratch_types=[pltpu.VMEM((_CHUNK,), jnp.float32),
                   pltpu.SemaphoreType.DMA],
)(_sc_noop)


def kernel(x, pos_table):
    sc_out = _sc_noop_kernel(x.reshape(-1), pos_table.reshape(-1))
    return sc_out.reshape(1, _S, _D)

# --- scband reference (transcript-rebuilt; emitter-appended) ---
"""Pipeline reference for scband-positional-encoding-45749991637398 (READ-ONLY COPY).

The authoritative reference and input builder live on the scoring server;
editing this copy changes nothing except your own understanding.
"""

import jax, jax.numpy as jnp
import numpy as np

SEQ_LENGTH = 4096
MODEL_DIM = 2048
BATCH = 4

def setup_inputs(seed: int = 0) -> dict:
    key = jax.random.key(seed)
    k1, k2 = jax.random.split(key)
    x = jax.random.normal(k1, (BATCH, SEQ_LENGTH, MODEL_DIM), dtype=jnp.float32)
    # nn.Embedding default init: N(0, 1)
    pos_table = jax.random.normal(k2, (SEQ_LENGTH, MODEL_DIM), dtype=jnp.float32)
    return {"x": x, "pos_table": pos_table}

def reference(x, pos_table):
    # positions = arange(seq_length) expanded over batch
    positions = jnp.arange(SEQ_LENGTH)  # [S]
    positions = jnp.broadcast_to(positions[None, :], (x.shape[0], SEQ_LENGTH))  # [B, S]
    pos_embeds = jnp.take(pos_table, positions, axis=0)  # [B, S, D]
    return x + pos_embeds

if __name__ == "__main__":
    import jax
    _d = setup_inputs()
    print(jax.jit(kernel)(*tuple(_d.values())))

</pallas_src>

<mosaic_0001>
#map = affine_map<(d0, d1) -> (0)>
module attributes {stable_mosaic.version = 14 : i64} {
  func.func @_sc_noop(%arg0: i32, %arg1: i32, %arg2: memref<33554432xf32, #tpu.memory_space<hbm>>, %arg3: memref<8388608xf32, #tpu.memory_space<hbm>>, %arg4: memref<8388608xf32, #tpu.memory_space<hbm>>, %arg5: memref<16384xf32, #tpu.memory_space<vmem>>, %arg6: memref<!tpu.dma_semaphore, #tpu.memory_space<semaphore_mem>>) attributes {dimension_semantics = [#tpu.dimension_semantics<core_parallel>, #tpu.dimension_semantics<subcore_parallel>], iteration_bounds = array<i64: 2, 16>, scalar_prefetch = 0 : i64, scratch_operands = 2 : i64, tpu.core_type = #tpu.core_type<sc_vector_subcore>, window_params = [{transform_indices = #map}, {transform_indices = #map}, {transform_indices = #map}]} {
    %mul3A = arith.constant 2 : i32
    %mul3A_0 = arith.muli %arg1, %mul3A : i32
    %add3A = arith.addi %mul3A_0, %arg0 : i32
    %mul3A_1 = arith.constant 16384 : i32
    %mul3A_2 = arith.muli %add3A, %mul3A_1 : i32
    %dma_start3A = tpu.memref_slice %arg2[%mul3A_2] : memref<33554432xf32, #tpu.memory_space<hbm>> -> memref<16384xf32, #tpu.memory_space<hbm>>
    %dma_start3A_3 = tpu.memref_slice %arg2[%mul3A_2] : memref<33554432xf32, #tpu.memory_space<hbm>> -> memref<16384xf32, #tpu.memory_space<hbm>>
    tpu.enqueue_dma source(%dma_start3A_3 : memref<16384xf32, #tpu.memory_space<hbm>>) target(%arg5 : memref<16384xf32, #tpu.memory_space<vmem>>) target_semaphore(%arg6 : memref<!tpu.dma_semaphore, #tpu.memory_space<semaphore_mem>>)
    %dma_wait3A = arith.constant 0 : i32
    %dma_wait3A_4 = tpu.memref_slice %arg2[%dma_wait3A] : memref<33554432xf32, #tpu.memory_space<hbm>> -> memref<16384xf32, #tpu.memory_space<hbm>>
    %dma_wait3A_5 = arith.constant 0 : i32
    %dma_wait3A_6 = tpu.memref_slice %arg2[%dma_wait3A_5] : memref<33554432xf32, #tpu.memory_space<hbm>> -> memref<16384xf32, #tpu.memory_space<hbm>>
    tpu.wait_dma2 semaphore(%arg6 : memref<!tpu.dma_semaphore, #tpu.memory_space<semaphore_mem>>) src(%dma_wait3A_6 : memref<16384xf32, #tpu.memory_space<hbm>>) dst(%arg5 : memref<16384xf32, #tpu.memory_space<vmem>>)
    %dma_start3A_7 = tpu.memref_slice %arg4[%mul3A_2] : memref<8388608xf32, #tpu.memory_space<hbm>> -> memref<16384xf32, #tpu.memory_space<hbm>>
    %dma_start3A_8 = tpu.memref_slice %arg4[%mul3A_2] : memref<8388608xf32, #tpu.memory_space<hbm>> -> memref<16384xf32, #tpu.memory_space<hbm>>
    tpu.enqueue_dma source(%arg5 : memref<16384xf32, #tpu.memory_space<vmem>>) target(%dma_start3A_8 : memref<16384xf32, #tpu.memory_space<hbm>>) target_semaphore(%arg6 : memref<!tpu.dma_semaphore, #tpu.memory_space<semaphore_mem>>)
    %dma_wait3A_9 = arith.constant 0 : i32
    %dma_wait3A_10 = tpu.memref_slice %arg4[%dma_wait3A_9] : memref<8388608xf32, #tpu.memory_space<hbm>> -> memref<16384xf32, #tpu.memory_space<hbm>>
    %dma_wait3A_11 = arith.constant 0 : i32
    %dma_wait3A_12 = tpu.memref_slice %arg4[%dma_wait3A_11] : memref<8388608xf32, #tpu.memory_space<hbm>> -> memref<16384xf32, #tpu.memory_space<hbm>>
    tpu.wait_dma2 semaphore(%arg6 : memref<!tpu.dma_semaphore, #tpu.memory_space<semaphore_mem>>) src(%arg5 : memref<16384xf32, #tpu.memory_space<vmem>>) dst(%dma_wait3A_12 : memref<16384xf32, #tpu.memory_space<hbm>>)
    return
  }
}

</mosaic_0001>

<sc_bundles>
// kernel: kernel.3.cloned.1.call-start
scs
__scs_entry_jumppad:
0x0: {  	(pc) =	sbr.rel $0x88, $3  }
0x1: {  	(tag) =	ssettag $0x0;
	lr =	simm.s32 $0x1  }
0x2: {  	[smem:$0x3F9F] =	sst lr;
	_ =	strace $0xD0000000  }
0x3: {  	_ = 	snop  }
0x4: {  	_ = 	snop  }
0x5: {  	_ = 	snop  }
0x6: {  	_ = 	snop  }
0x7: {  	_ = 	snop  }
__scs_overlays_trampoline_lowered:
0x8: {  	[smem:$0x3FAE] =	sst s0  }
0x9: {  	[smem:$0x3FAF] =	sst s1  }
0xa: {  	[smem:$0x3FB0] =	sst s2  }
0xb: {  	[smem:$0x3FB1] =	sst s3  }
0xc: {  	[smem:$0x3FB2] =	sst s4  }
0xd: {  	[smem:$0x3FB3] =	sst s5  }
0xe: {  	[smem:$0x3FB4] =	sst s6  }
0xf: {  	[smem:$0x3FB5] =	sst s7  }
0x10: {  	[smem:$0x3FB6] =	sst s8  }
0x11: {  	[smem:$0x3FB7] =	sst s9;
	s0 =	simm.s32 @!p0 $0x0  }
0x12: {  	s1 =	sld [smem:$0x3F9D];
	s0 =	simm.s32 @p0 $0x1  }
0x13: {  	[smem:$0x3FB8] =	sst s0;
	s0 =	simm.s32 @!p1 $0x0  }
0x14: {  	s2 =	sld [smem:$0x3F9C];
	s0 =	simm.s32 @p1 $0x1  }
0x15: {  	[smem:$0x3FB9] =	sst s0;
	s0 =	simm.s32 @!p2 $0x0  }
0x16: {  	s3 =	sld [smem:$0x3FDB];
	s0 =	simm.s32 @p2 $0x1  }
0x17: {  	s4 =	simm.s32 $0x1BF5;
	[smem:$0x3FBB] =	sst s0  }
0x18: {  	s0 =	sld [smem:$0x3F9E];
	_ =	swait.ge [sflag:s4], $0x0  }
0x19: {  	s7 =	sld [smem:$0x3F9F]  }
0x1a: {  	s8 =	sadd.s32 $0xFFFFE003, lr  }
0x1b: {  	s9 =	sadd.s32 $0xFFFFFEF7, lr;
	s5 =	simm.s32 $0xFFFFFFFF;
	p2 =	slt.u32 s8, $0xFFFFF086  }
0x1c: {  	p1 =	slt.u32 s9, $0xF7A;
	s5 =	simm.s32 @!p2 $0x0  }
0x1d: {  	s5 =	simm.s32 @p1 $0x1;
	p0 =	seq.s32 s7, s2  }
0x1e: {  	s7 =	smul.u32 @!p0 $0xF7A, s2;
	p2 =	seq.s32 @!p0 s5, $0x0  }
0x1f: {  	s9 =	smul.u32 $0xF7A, s1;
	s8 =	simm.s32 @!p0 $0x1BF5;
	p2 =	por !p2, p0  }
0x20: {  	[sflag:s8] =	ssyncset.s32 @!p0 $0xFFFFF086;
	s6 =	sadd.s32 @!p0 s3, s7;
	s7 =	simm.s32 @!p0 $0x108  }
0x21: {  	s3 =	sadd.s32 s3, s9;
	s6 =	sadd.s32 @!p0 $0x88, s6;
	s7 =	simm.s32 @p2 $0x1082  }
0x22: {  	[simem:s7], [sflag:s8] =	dma.local @!p0 [hbm:s6], $0xF7A  }
0x23: {  	s9 =	sor.u32 $0xD0000000, s2;
	s6 =	simm.s32 $0x108;
	_ =	swait.ge @!p0 [sflag:s8], $0x0  }
0x24: {  	s3 =	sadd.s32 $0x88, s3;
	s6 =	simm.s32 @!p1 $0x1082;
	[sflag:s4] =	ssyncset.s32 $0xFFFFF086  }
0x25: {  	[simem:s6], [sflag:s4] =	dma.local [hbm:s3], $0xF7A  }
0x26: {  	[smem:$0x3F9F] =	sst s1;
	(tag) =	ssettag s2;
	_ =	strace s9  }
0x27: {  	s1 =	sld [smem:$0x3FAF]  }
0x28: {  	s2 =	sld [smem:$0x3FB0]  }
0x29: {  	s4 =	sld [smem:$0x3FB2]  }
0x2a: {  	p0 =	seq.s32 s5, $0x0;
	s5 =	sld [smem:$0x3FB3]  }
0x2b: {  	s6 =	sld [smem:$0x3FB4]  }
0x2c: {  	s7 =	sld [smem:$0x3FB5]  }
0x2d: {  	s3 =	simm.s32 $0x108;
	s8 =	sld [smem:$0x3FB6]  }
0x2e: {  	s3 =	simm.s32 @!p0 $0x1082;
	s9 =	sld [smem:$0x3FB7]  }
0x2f: {  	lr =	sadd.s32 s0, s3;
	s0 =	sld [smem:$0x3FAE]  }
0x30: {  	s3 =	sld [smem:$0x3FB1]  }
0x31: {  	[smem:$0x3FBA] =	sst s10  }
0x32: {  	s10 =	sld [smem:$0x3FB8];
	_ =	sdelay $0x3  }
0x33: {  	p0 =	seq.s32 s10, $0x1;
	s10 =	sld [smem:$0x3FBA];
	_ =	sdelay $0x3  }
0x34: {  	[smem:$0x3FBA] =	sst s10  }
0x35: {  	s10 =	sld [smem:$0x3FB9];
	_ =	sdelay $0x3  }
0x36: {  	p1 =	seq.s32 s10, $0x1;
	s10 =	sld [smem:$0x3FBA];
	_ =	sdelay $0x3  }
0x37: {  	[smem:$0x3FBA] =	sst s10  }
0x38: {  	s10 =	sld [smem:$0x3FBB]  }
0x39: {  	_ = 	snop;
	(pc) =	sbr.ind lr, $3  }
0x3a: {  	_ = 	snop  }
0x3b: {  	_ = 	snop  }
0x3c: {  	p2 =	seq.s32 s10, $0x1;
	s10 =	sld [smem:$0x3FBA]  }
0x3d: {  	_ =	shalt  }
0x3e: {  	_ =	shalt  }
0x3f: {  	_ =	shalt  }
0x40: {  	_ =	shalt  }
0x41: {  	_ =	shalt  }
0x42: {  	_ =	shalt  }
0x43: {  	_ =	shalt  }
0x44: {  	_ =	shalt  }
0x45: {  	_ =	shalt  }
0x46: {  	_ =	shalt  }
0x47: {  	_ =	shalt  }
0x48: {  	_ =	shalt  }
0x49: {  	_ =	shalt  }
0x4a: {  	_ =	shalt  }
0x4b: {  	_ =	shalt  }
0x4c: {  	_ =	shalt  }
0x4d: {  	_ =	shalt  }
0x4e: {  	_ =	shalt  }
0x4f: {  	_ =	shalt  }
0x50: {  	_ =	shalt  }
0x51: {  	_ =	shalt  }
0x52: {  	_ =	shalt  }
0x53: {  	_ =	shalt  }
0x54: {  	_ =	shalt  }
0x55: {  	_ =	shalt  }
0x56: {  	_ =	shalt  }
0x57: {  	_ =	shalt  }
0x58: {  	_ =	shalt  }
0x59: {  	_ =	shalt  }
0x5a: {  	_ =	shalt  }
0x5b: {  	_ =	shalt  }
0x5c: {  	_ =	shalt  }
0x5d: {  	_ =	shalt  }
0x5e: {  	_ =	shalt  }
0x5f: {  	_ =	shalt  }
0x60: {  	_ =	shalt  }
0x61: {  	_ =	shalt  }
0x62: {  	_ =	shalt  }
0x63: {  	_ =	shalt  }
0x64: {  	_ =	shalt  }
0x65: {  	_ =	shalt  }
0x66: {  	_ =	shalt  }
0x67: {  	_ =	shalt  }
0x68: {  	_ =	shalt  }
0x69: {  	_ =	shalt  }
0x6a: {  	_ =	shalt  }
0x6b: {  	_ =	shalt  }
0x6c: {  	_ =	shalt  }
0x6d: {  	_ =	shalt  }
0x6e: {  	_ =	shalt  }
0x6f: {  	_ =	shalt  }
0x70: {  	_ =	shalt  }
0x71: {  	_ =	shalt  }
0x72: {  	_ =	shalt  }
0x73: {  	_ =	shalt  }
0x74: {  	_ =	shalt  }
0x75: {  	_ =	shalt  }
0x76: {  	_ =	shalt  }
0x77: {  	_ =	shalt  }
0x78: {  	_ =	shalt  }
0x79: {  	_ =	shalt  }
0x7a: {  	_ =	shalt  }
0x7b: {  	_ =	shalt  }
0x7c: {  	_ =	shalt  }
0x7d: {  	_ =	shalt  }
0x7e: {  	_ =	shalt  }
0x7f: {  	_ =	shalt  }
0x80: {  	_ =	shalt  }
0x81: {  	_ =	shalt  }
0x82: {  	_ =	shalt  }
0x83: {  	_ =	shalt  }
0x84: {  	_ =	shalt  }
0x85: {  	_ =	shalt  }
0x86: {  	_ =	shalt  }
0x87: {  	_ =	shalt  }
.Lfunc_end0:
.L_simem_size_0:
called_computation.2_lowered:
.L_overlay_start_0:
0x88: {  	s2 =	sld [smem:$0x3FD9]  }
0x89: {  	s3 =	sld [smem:$0x3FFE];
	_ =	sdelay $0x1  }
0x8a: {  	s1 =	srdreg.scid  }
0x8b: {  	s0 =	sand.u32 $0x1, s1  }
0x8c: {  	s16 =	sshll.u32 s0, $0xA;
	s2 =	sadd.s32 s3, s2  }
0x8d: {  	s2 =	sadd.s32 s2, s16  }
0x8e: {  	[smem:$0x3FC6] =	sst s2  }
0x8f: {  	_ = 	snop  }
0x90: {  	(tm) =	ssettm $0x1  }
0x91: {  	s17 =	sld [smem:$0x3FFB];
	_ =	sdelay $0x3  }
0x92: {  	_ =	strace s17  }
0x93: {  	s2 =	sld [smem:$0x3FFC];
	_ =	sdelay $0x3  }
0x94: {  	_ =	strace s2  }
0x95: {  	s2 =	sld [smem:$0x3FFD];
	_ =	sdelay $0x3  }
0x96: {  	_ =	strace s2  }
0x97: {  	_ =	strace $0x8FFFFFFF  }
0x98: {  	s18 =	sld [smem:$0x3FDB];
	_ =	sdelay $0x1  }
0x99: {  	s19 =	simm.s32 $_scs_section_size  }
0x9a: {  	s4 =	simm.s32 $_size__tile_overlayer_lowered;
	s5 =	simm.s32 $_tile_overlayer_lowered  }
0x9b: {  	s22 =	simm.s32 $0x1BFF;
	s21 =	sshll.u32 s5, $0x1;
	s2 =	sadd.s32 s19, s18  }
0x9c: {  	s6 =	simm.s32 $0x0;
	s20 =	sshll.u32 s4, $0x1;
	s4 =	sadd.s32 s21, s2  }
0x9d: {  	[timem:s6], [sflag:s22] =	dma.local [hbm:s4], s20  }
0x9e: {  	_ =	swait.ge [sflag:s22], s20  }
0x9f: {  	s3 =	ssub.s32 $0x0, s20;
	[sflag:s22] =	ssyncset.done $0x0  }
0xa0: {  	[sflag:s22] =	ssyncadd.s32 s3;
	_ =	sdelay $0x1  }
0xa1: {  	s23 =	simm.s32 $0x1B8B  }
0xa2: {  	_ =	swait.ge [sflag:s23], $0x1  }
0xa3: {  	[sflag:s23] =	ssyncset.done $0x0  }
0xa4: {  	s25 =	simm.s32 $0x1B8E;
	s24 =	sld [smem:$0x3FFE];
	[sflag:s23] =	ssyncadd.s32 $0xFFFFFFFF  }
0xa5: {  	s26 =	simm.s32 $execute0_lowered;
	[smem:$0x3FD2] =	sst s25  }
0xa6: {  	s4 =	sshll.u32 s26, $0x1;
	_ =	strace $0x8000004C;
	[dreg:$0x1] =	wrdreg $0xFFFFFFFF  }
0xa7: {  	s28 =	simm.s32 $_size_execute0_lowered;
	s2 =	sadd.s32 s2, s4;
	[dreg:$0x0] =	wrdreg $0x0  }
0xa8: {  	s4 =	sshll.u32 s28, $0x1;
	[dreg:$0x2] =	wrdreg s2  }
0xa9: {  	[dreg:$0x3] =	wrdreg s4  }
0xaa: {  	[dreg:$0x4] =	wrdreg $0xC0  }
0xab: {  	_ =	task [dreg:s6], $0x5FFFF  }
0xac: {  	[dreg:$0x1] =	wrdreg $0xFFFFFFFF  }
0xad: {  	[dreg:$0x0] =	wrdreg $0x60  }
0xae: {  	[dreg:$0x2] =	wrdreg s24  }
0xaf: {  	[dreg:$0x3] =	wrdreg $0x9  }
0xb0: {  	_ =	task.clear_ibuf [dreg:s6], $0x4FFFF;
	_ =	strace $0x9000004C  }
0xb1: {  	s29 =	simm.s32 $0x9;
	_ =	strace $0x8000004E  }
0xb2: {  	_ =	swait.ge [sflag:s29], $0x1  }
0xb3: {  	[sflag:s29] =	ssyncadd.s32 $0xFFFFFFFF  }
0xb4: {  	_ =	strace $0x9000004E  }
0xb5: {  	_ =	sfence  }
0xb6: {  	s30 =	sld [smem:$0x0];
	_ =	sdelay $0x2  }
0xb7: {  	s31 =	sshll.u32 s1, $0xD;
	s1 =	sshrl.u32 s1, $0x2  }
0xb8: {  	s3 =	sand.u32 $0x4000, s31;
	s1 =	sadd.s32 s1, s30  }
0xb9: {  	s0 =	sor.u32 s3, s0;
	s1 =	sshll.u32 s1, $0x11  }
0xba: {  	s0 =	sor.u32 s1, s0  }
0xbb: {  	s0 =	sadd.s32 $0x8F2B, s0  }
0xbc: {  	[sflag:s0] =	ssyncadd.remote.s32 $0x1  }
0xbd: {  	_ =	sfence.sel $0xFFFF  }
0xbe: {  	[dreg:$0x0] =	wrdreg $0xFFFFFFFF;
	(pc) =	sbr.abs _section_cstart, $3  }
0xbf: {  	[dreg:$0x1] =	wrdreg $0xFFFFFFFF  }
0xc0: {  	_ =	task.clear_ibuf [dreg:s6], $0x2FFFF;
	_ =	strace $0x9FFFFFFF  }
0xc1: {  	(tm) =	ssettm $0x7FFFFFFF  }
tec
execute0_lowered:
.L_overlay_start_1:
0x0: {  	(tag) =	ssettag $0x1  }
0x1: {  	s3 =	rddreg [dreg:$0x0]  }
0x2: {  	s2 =	srdreg.scid;
	s0 =	rddreg [dreg:$0x1]  }
0x3: {  	s1 =	stileid.u32;
	s4 =	sand.u32 $0x1, s2;
	s2 =	simm.s32 $0x0  }
0x4: {  	s5 =	sshll.u32 s1, $0xC;
	s6 =	sshll.u32 s4, $0xB;
	s31 =	ssub.s32 $0x2, s4  }
0x5: {  	[smem:$0x7FF] =	sst s2;
	s5 =	sor.u32 s6, s5;
	s7 =	sshrl.u32 s31, $0x1  }
0x6: {  	_ =	strace $0x8000004D;
	s5 =	sadd.s32 s5, s3;
	s6 =	ssub.s32 s31, s7  }
0x7: {  	s3 =	simm.s32 $0x1;
	s4 =	sadd.s32 $0xC00, s5;
	s6 =	smax.u32 s6, $0x1  }
0x8: {  	[tilespmem:s2], [sflag:$0x1] =	stream.linear.gather [hbm4b:s4+s2], $0x4000, $0x38;
	[tilespmem:$0x4000] =	vst v63  }
0x9: {  	p0 =	sne.s32 s6, $0x1;
	_ =	swait.ge [sflag:s3], $0x4000  }
.Ltmp0:
0xa: {  	[sflag:s3] =	ssyncset.done $0x0;
	(pc) =	sbr.rel @!p0 .LBB2_2-.Ltmp0, $4  }
0xb: {  	s5 =	sadd.s32 $0x400C00, s5;
	[sflag:s3] =	ssyncadd.s32 $0xFFFFC000  }
0xc: {  	[hbm4b:s5+s2] =	stream.linear.scatter [tilespmem:s2], [sflag:$0x1], $0x4000, $0x38;
	[tilespmem:$0x4000] =	vst v63  }
0xd: {  	_ =	swait.ge [sflag:s3], $0x4000  }
0xe: {  	s6 =	sadd.s32 $0xFFFFFFFF, s6;
	[sflag:s3] =	ssyncset.done $0x0  }
.LBB2_1:
0xf: {  	p0 =	sne.s32 s6, $0x1;
	s6 =	sadd.s32 $0xFFFFFFFF, s6;
	[sflag:s3] =	ssyncadd.s32 $0xFFFFC000  }
0x10: {  	[tilespmem:s2], [sflag:$0x1] =	stream.linear.gather [hbm4b:s4+s2], $0x4000, $0x38;
	[tilespmem:$0x4000] =	vst v63  }
0x11: {  	_ =	swait.ge [sflag:s3], $0x4000  }
.Ltmp1:
0x12: {  	[sflag:s3] =	ssyncset.done $0x0;
	(pc) =	sbr.rel @p0 .LBB2_1-.Ltmp1, $4  }
0x13: {  	[sflag:s3] =	ssyncadd.s32 $0xFFFFC000  }
0x14: {  	[hbm4b:s5+s2] =	stream.linear.scatter [tilespmem:s2], [sflag:$0x1], $0x4000, $0x38;
	[tilespmem:$0x4000] =	vst v63  }
0x15: {  	_ =	swait.ge [sflag:s3], $0x4000  }
0x16: {  	[sflag:s3] =	ssyncset.done $0x0  }
.LBB2_2:
0x17: {  	[sflag:s3] =	ssyncadd.s32 $0xFFFFC000  }
0x18: {  	_ =	sfence.sel $0x180000  }
0x19: {  	[bflag:$0x0] =	sbarrier.arrive $0xFFFF  }
0x1a: {  	p0 =	sne.s32 s1, $0x0;
	_ =	strace $0x9000004D  }
0x1b: {  	s0 =	sadd.s32 @!p0 $0x100000, s0;
	[bflag:$0x2] =	sbarrier.arrive $0xFFFF  }
0x1c: {  	[sflag:s0] =	ssyncadd.tile.s32 @!p0 $0x1;
	_ =	shalt  }
.Lfunc_end2:
_tile_overlayer_lowered:
.L_overlay_start_2:
0x1d: {  	(tag) =	ssettag $0x2  }
0x1e: {  	s0 =	rddreg [dreg:$0x0];
	s2 =	stileid.u32  }
0x1f: {  	s1 =	rddreg [dreg:$0x1];
	p0 =	sne.s32 s2, $0x0  }
0x20: {  	s3 =	rddreg [dreg:$0x2];
	[bflag:$0x3] =	sbarrier.arrive $0xFFFF;
	s2 =	simm.s32 @!p0 $0x1C02  }
0x21: {  	[timem:s3], [sflag:s2] =	dma.local @!p0 [hbm:s0], s1  }
0x22: {  	s0 =	simm.s32 @!p0 $0x2  }
0x23: {  	_ =	swait.ge @!p0 [sflag:s0], s1  }
0x24: {  	s1 =	ssub.s32 @!p0 $0x0, s1;
	[sflag:s0] =	ssyncset.done @!p0 $0x0  }
0x25: {  	[sflag:s0] =	ssyncadd.s32 @!p0 s1  }
0x26: {  	[bflag:$0x3] =	sbarrier.arrive $0xFFFF  }
0x27: {  	_ =	shalt  }

// kernel: sparse-core-data-format-call.1.cloned.1.call-start
scs
called_computation.1_lowered:
.L_overlay_start_0:
0x0: {  	s2 =	sld [smem:$0x3FD9]  }
0x1: {  	s3 =	sld [smem:$0x3FFE];
	_ =	sdelay $0x1  }
0x2: {  	s1 =	srdreg.scid  }
0x3: {  	s0 =	sand.u32 $0x1, s1  }
0x4: {  	s18 =	sshll.u32 s0, $0xA;
	s2 =	sadd.s32 s3, s2  }
0x5: {  	s2 =	sadd.s32 s2, s18  }
0x6: {  	[smem:$0x3FC6] =	sst s2  }
0x7: {  	_ = 	snop  }
0x8: {  	s19 =	sld [smem:$0x3FC9];
	(tm) =	ssettm $0x1  }
0x9: {  	s20 =	sld [smem:$0x3FFB];
	_ =	sdelay $0x3  }
0xa: {  	_ =	strace s20  }
0xb: {  	s2 =	sld [smem:$0x3FFC];
	_ =	sdelay $0x3  }
0xc: {  	_ =	strace s2  }
0xd: {  	s2 =	sld [smem:$0x3FFD];
	_ =	sdelay $0x3  }
0xe: {  	_ =	strace s2  }
0xf: {  	_ =	strace $0x8FFFFFFF  }
0x10: {  	s21 =	sld [smem:$0x3FDB];
	_ =	sdelay $0x1  }
0x11: {  	s4 =	simm.s32 $_scs_section_size  }
0x12: {  	s5 =	simm.s32 $_size__tile_overlayer_lowered;
	s6 =	simm.s32 $_tile_overlayer_lowered  }
0x13: {  	s7 =	simm.s32 $0x1BFF;
	s22 =	sshll.u32 s6, $0x1;
	s4 =	sadd.s32 s4, s21  }
0x14: {  	s23 =	simm.s32 $0x0;
	s5 =	sshll.u32 s5, $0x1;
	s6 =	sadd.s32 s22, s4  }
0x15: {  	[timem:s23], [sflag:s7] =	dma.local [hbm:s6], s5  }
0x16: {  	_ =	swait.ge [sflag:s7], s5  }
0x17: {  	s5 =	ssub.s32 $0x0, s5;
	[sflag:s7] =	ssyncset.done $0x0  }
0x18: {  	[sflag:s7] =	ssyncadd.s32 s5;
	_ =	sdelay $0x1  }
0x19: {  	s24 =	simm.s32 $0x1B8B  }
0x1a: {  	_ =	swait.ge [sflag:s24], $0x1  }
0x1b: {  	[sflag:s24] =	ssyncset.done $0x0  }
0x1c: {  	[sflag:s24] =	ssyncadd.s32 $0xFFFFFFFF  }
0x1d: {  	s5 =	sld [smem:$0x0]  }
0x1e: {  	s6 =	sand.u32 $0xFFFFFFFE, s1  }
0x1f: {  	p0 =	sne.s32 s1, s6  }
0x20: {  	s6 =	sshll.u32 @p0 s6, $0xE  }
0x21: {  	s6 =	sadd.s32 @p0 $0x11B8D, s6;
	s7 =	sshll.u32 @p0 s5, $0x11  }
0x22: {  	s6 =	sor.u32 @p0 s7, s6  }
0x23: {  	[sflag:s6] =	ssyncadd.remote.s32 @p0 $0x1;
	_ =	sdelay $0x1  }
0x24: {  	s6 =	simm.s32 @p0 $0x1B8D  }
0x25: {  	_ =	swait.eq @p0 [sflag:s6], $0x1  }
0x26: {  	[sflag:s6] =	ssyncadd.s32 @p0 $0xFFFFFFFF  }
0x27: {  	s7 =	sshll.u32 @!p0 s1, $0xE  }
0x28: {  	s7 =	sor.u32 @!p0 $0x4000, s7;
	s6 =	simm.s32 @!p0 $0x1B8D  }
0x29: {  	s5 =	sshll.u32 @!p0 s5, $0x11;
	s7 =	sadd.s32 @!p0 $0x11B8D, s7;
	_ =	swait.eq @!p0 [sflag:s6], $0x1  }
0x2a: {  	s5 =	sor.u32 @!p0 s5, s7;
	[sflag:s6] =	ssyncadd.s32 @!p0 $0xFFFFFFFF  }
0x2b: {  	s26 =	simm.s32 $0x1B8E;
	s25 =	sld [smem:$0x3FFE];
	[sflag:s5] =	ssyncadd.remote.s32 @!p0 $0x1  }
0x2c: {  	s27 =	simm.s32 $execute0_lowered;
	[smem:$0x3FD2] =	sst s26  }
0x2d: {  	s6 =	sshll.u32 s27, $0x1;
	_ =	strace $0x80000049;
	[dreg:$0x1] =	wrdreg $0xFFFFFFFF  }
0x2e: {  	s28 =	simm.s32 $_size_execute0_lowered;
	s4 =	sadd.s32 s4, s6;
	[dreg:$0x0] =	wrdreg $0x0  }
0x2f: {  	s6 =	sshll.u32 s28, $0x1;
	[dreg:$0x2] =	wrdreg s4  }
0x30: {  	[dreg:$0x3] =	wrdreg s6  }
0x31: {  	[dreg:$0x4] =	wrdreg $0xC0  }
0x32: {  	_ =	task [dreg:s23], $0x5FFFF  }
0x33: {  	[dreg:$0x1] =	wrdreg $0xFFFFFFFF  }
0x34: {  	[dreg:$0x0] =	wrdreg $0x60  }
0x35: {  	[dreg:$0x2] =	wrdreg s19  }
0x36: {  	[dreg:$0x3] =	wrdreg s25  }
0x37: {  	[dreg:$0x4] =	wrdreg $0xA  }
0x38: {  	_ =	task.clear_ibuf [dreg:s23], $0x5FFFF;
	_ =	strace $0x90000049  }
0x39: {  	s29 =	simm.s32 $0xA;
	_ =	strace $0x8000004B  }
0x3a: {  	_ =	swait.ge [sflag:s29], $0x1  }
0x3b: {  	[sflag:s29] =	ssyncadd.s32 $0xFFFFFFFF  }
0x3c: {  	_ =	strace $0x9000004B  }
0x3d: {  	_ =	sfence  }
0x3e: {  	s30 =	sld [smem:$0x0];
	_ =	sdelay $0x2  }
0x3f: {  	s31 =	sshll.u32 s1, $0xD;
	s1 =	sshrl.u32 s1, $0x2  }
0x40: {  	s4 =	sand.u32 $0x4000, s31;
	s1 =	sadd.s32 s1, s30  }
0x41: {  	s0 =	sor.u32 s4, s0;
	s1 =	sshll.u32 s1, $0x11  }
0x42: {  	s0 =	sor.u32 s1, s0  }
0x43: {  	s0 =	sadd.s32 $0x8F2B, s0  }
0x44: {  	[sflag:s0] =	ssyncadd.remote.s32 $0x1  }
0x45: {  	_ =	sfence.sel $0xFFFF  }
0x46: {  	[dreg:$0x0] =	wrdreg $0xFFFFFFFF;
	(pc) =	sbr.abs _section_cstart, $3  }
0x47: {  	[dreg:$0x1] =	wrdreg $0xFFFFFFFF  }
0x48: {  	_ =	task.clear_ibuf [dreg:s23], $0x2FFFF;
	_ =	strace $0x9FFFFFFF  }
0x49: {  	(tm) =	ssettm $0x7FFFFFFF  }
tec
execute0_lowered:
.L_overlay_start_1:
0x0: {  	(tag) =	ssettag $0x1  }
0x1: {  	s2 =	rddreg [dreg:$0x0]  }
0x2: {  	s1 =	rddreg [dreg:$0x1]  }
0x3: {  	s0 =	rddreg [dreg:$0x2];
	_ =	strace $0x8000004A;
	s4 =	srdreg.scid  }
.Ltmp0:
0x4: {  	s6 =	simm.s32 $0x2;
	p0 =	por $0x0, $0x0;
	(pc) =	sbr.rel .LBB1_1-.Ltmp0, $4  }
0x5: {  	s9 =	simm.s32 $0x0;
	s3 =	sadd.s32 $0xC00, s1;
	s5 =	sshll.u32 s4, $0x4  }
0x6: {  	s1 =	stileid.u32;
	s4 =	simm.s32 $0x1;
	s5 =	sand.u32 $0x10, s5  }
0x7: {  	s7 =	simm.s32 $0x0;
	[sflag:s4] =	ssyncpa.u1 $0x0;
	s5 =	sor.u32 s1, s5  }
0x8: {  	[sflag:s6] =	ssyncpa.u1 $0x0;
	s6 =	simm.s32 $0x0;
	s8 =	smov.u32 s5  }
.LBB1_7:
0x9: {  	s11 =	sadd.s32 $0x20, s8  }
0xa: {  	p1 =	slt.u32 s7, $0x2;
	s7 =	sadd.s32 $0x1, s7;
	p2 =	sgt.s32 s11, $0x7FF  }
0xb: {  	s11 =	smov.u32 @p2 s5;
	p2 =	sne.s32 s7, $0x42  }
.Ltmp1:
0xc: {  	_ = 	snop;
	(pc) =	sbr.rel @!p2 .LBB1_8-.Ltmp1, $4  }
0xd: {  	s10 =	simm.s32 @!p1 $0x2  }
0xe: {  	_ =	swait.ge @!p1 [sflag:s10], $0x4000  }
0xf: {  	s9 =	smov.u32 s8;
	[sflag:s10] =	ssyncset.done @!p1 $0x0  }
0x10: {  	p0 =	por !p0, !p0;
	s8 =	smov.u32 s11;
	[sflag:s10] =	ssyncadd.s32 @!p1 $0xFFFFC000  }
.LBB1_1:
0x11: {  	p1 =	sgt.u32 s7, $0x3F  }
0x12: {  	s10 =	sxor.u32 @!p1 $0xFFFFFFFF, s7  }
0x13: {  	s11 =	sshll.u32 @!p1 s8, $0xB;
	s10 =	sshll.u32 @!p1 s10, $0xE  }
0x14: {  	s12 =	simm.s32 @!p1 $0x0;
	s11 =	sadd.s32 @!p1 s2, s11;
	s10 =	sand.u32 @!p1 $0x4000, s10  }
0x15: {  	[tilespmem:s10], [sflag:$0x1] =	stream.linear.gather @!p1 [hbm4b:s11+s12], $0x4000, $0x38;
	[tilespmem:$0x10000] =	vst v63  }
0x16: {  	p1 =	seq.s32 s7, $0x0  }
0x17: {  	p2 =	seq.s32 @!p1 s7, $0x41  }
0x18: {  	p1 =	por p1, p2  }
.Ltmp2:
0x19: {  	_ = 	snop;
	(pc) =	sbr.rel @p1 .LBB1_7-.Ltmp2, $1  }
0x1a: {  	_ =	sdelay $0x3  }
0x1b: {  	s10 =	simm.s32 $0x1;
	_ =	swait.ge [sflag:s4], $0x4000;
	s12 =	sshll.u32 s7, $0xE  }
0x1c: {  	s13 =	simm.s32 $0x0;
	s10 =	simm.s32 @!p0 $0x0;
	[sflag:s4] =	ssyncset.done $0x0  }
0x1d: {  	s12 =	sand.u32 $0x4000, s12;
	s11 =	sshll.u32 s10, $0xE;
	[sflag:s4] =	ssyncadd.s32 $0xFFFFC000  }
0x1e: {  	s12 =	sor.u32 $0x8000, s12;
	s10 =	sor.u32 $0x8040, s11;
	s11 =	sor.u32 $0x40, s11  }
.LBB1_3:
0x1f: {  	v0 =	vmov s11;
	_ =	sdelay $0x3  }
0x20: {  	s15 =	simm.s32 $0x0  }
0x21: {  	v6 =	vld.idx.msk [tilespmem:v0+s15+$0x30 ss:$0x1], $0xffff  }
0x22: {  	v7 =	vld.idx.msk [tilespmem:v0+s15+$0xFFFFFFC0 ss:$0x1], $0xffff  }
0x23: {  	v5 =	vld.idx.msk [tilespmem:v0+s15+$0xFFFFFFD0 ss:$0x1], $0xffff  }
0x24: {  	v4 =	vld.idx.msk [tilespmem:v0+s15+$0xFFFFFFE0 ss:$0x1], $0xffff  }
0x25: {  	v3 =	vld.idx.msk [tilespmem:v0+s15+$0xFFFFFFF0 ss:$0x1], $0xffff  }
0x26: {  	v1 =	vld.idx.msk [tilespmem:v0+s15+$0x0 ss:$0x1], $0xffff  }
0x27: {  	v2 =	vld.idx.msk [tilespmem:v0+s15+$0x10 ss:$0x1], $0xffff;
	[tilespmem:s10+$0x30] =	vst v6  }
0x28: {  	s14 =	simm.s32 $0x80;
	s16 =	simm.s32 $0x400;
	[tilespmem:s10+$0xFFFFFFC0] =	vst v7;
	v6 =	vld.idx.msk [tilespmem:v0+s15+$0x20 ss:$0x1], $0xffff;
	s15 =	smov.u32 s10  }
.LBB1_4:
0x29: {  	p1 =	sne.s32 s16, $0xE00;
	v7 =	vld.idx.msk [tilespmem:v0+s14+$0x30 ss:$0x1], $0xffff;
	[tilespmem:s15+$0xFFFFFFD0] =	vst v5  }
0x2a: {  	v8 =	vld.idx.msk [tilespmem:v0+s14+$0xFFFFFFC0 ss:$0x1], $0xffff;
	[tilespmem:s15+$0xFFFFFFE0] =	vst v4  }
0x2b: {  	v5 =	vld.idx.msk [tilespmem:v0+s14+$0xFFFFFFD0 ss:$0x1], $0xffff;
	[tilespmem:s15+$0xFFFFFFF0] =	vst v3  }
.Ltmp3:
0x2c: {  	v4 =	vld.idx.msk [tilespmem:v0+s14+$0xFFFFFFE0 ss:$0x1], $0xffff;
	[tilespmem:s15+$0x0] =	vst v1;
	(pc) =	sbr.rel @p1 .LBB1_4-.Ltmp3, $4  }
0x2d: {  	v3 =	vld.idx.msk [tilespmem:v0+s14+$0xFFFFFFF0 ss:$0x1], $0xffff;
	[tilespmem:s15+$0x10] =	vst v2  }
0x2e: {  	v1 =	vld.idx.msk [tilespmem:v0+s14+$0x0 ss:$0x1], $0xffff;
	[tilespmem:s15+$0x20] =	vst v6;
	s15 =	sadd.s32 $0x800, s15  }
0x2f: {  	v2 =	vld.idx.msk [tilespmem:v0+s14+$0x10 ss:$0x1], $0xffff;
	[tilespmem:s15+$0x30] =	vst v7  }
0x30: {  	[tilespmem:s15+$0xFFFFFFC0] =	vst v8;
	v6 =	vld.idx.msk [tilespmem:v0+s14+$0x20 ss:$0x1], $0xffff;
	s14 =	sshra.s32 s16, $0x2;
	s16 =	sadd.s32 $0x200, s16  }
0x31: {  	_ =	sdelay $0x2  }
0x32: {  	[tilespmem:s15+$0xFFFFFFD0] =	vst v5  }
0x33: {  	v56 =	vld.idx.msk [tilespmem:v0+s14+$0x30 ss:$0x1], $0xffff;
	[tilespmem:s15+$0xFFFFFFE0] =	vst v4  }
0x34: {  	v57 =	vld.idx.msk [tilespmem:v0+s14+$0xFFFFFFC0 ss:$0x1], $0xffff;
	[tilespmem:s15+$0xFFFFFFF0] =	vst v3  }
0x35: {  	v58 =	vld.idx.msk [tilespmem:v0+s14+$0xFFFFFFD0 ss:$0x1], $0xffff;
	[tilespmem:s15+$0x0] =	vst v1  }
0x36: {  	v59 =	vld.idx.msk [tilespmem:v0+s14+$0xFFFFFFE0 ss:$0x1], $0xffff;
	[tilespmem:s15+$0x10] =	vst v2  }
0x37: {  	v60 =	vld.idx.msk [tilespmem:v0+s14+$0xFFFFFFF0 ss:$0x1], $0xffff;
	s31 =	sadd.s32 $0x800, s15;
	[tilespmem:s15+$0x20] =	vst v6  }
0x38: {  	v61 =	vld.idx.msk [tilespmem:v0+s14+$0x0 ss:$0x1], $0xffff;
	[tilespmem:s31+$0x30] =	vst v56  }
0x39: {  	v62 =	vld.idx.msk [tilespmem:v0+s14+$0x10 ss:$0x1], $0xffff;
	s13 =	sadd.s32 $0x1, s13;
	[tilespmem:s31+$0xFFFFFFC0] =	vst v57  }
0x3a: {  	v63 =	vld.idx.msk [tilespmem:v0+s14+$0x20 ss:$0x1], $0xffff;
	p1 =	sne.s32 s13, $0x10;
	[tilespmem:s31+$0xFFFFFFD0] =	vst v58  }
.Ltmp4:
0x3b: {  	[tilespmem:s31+$0xFFFFFFE0] =	vst v59;
	(pc) =	sbr.rel @p1 .LBB1_3-.Ltmp4, $4  }
0x3c: {  	[tilespmem:s31+$0xFFFFFFF0] =	vst v60  }
0x3d: {  	[tilespmem:s31+$0x0] =	vst v61  }
0x3e: {  	[tilespmem:s31+$0x10] =	vst v62  }
0x3f: {  	s10 =	sadd.s32 $0x80, s10;
	s11 =	sadd.s32 $0x400, s11;
	[tilespmem:s31+$0x20] =	vst v63  }
.Ltmp5:
0x40: {  	(pc) =	sbr.rel .LBB1_7-.Ltmp5, $4  }
0x41: {  	_ = 	snop  }
0x42: {  	s9 =	sshll.u32 s9, $0xB  }
0x43: {  	s9 =	sadd.s32 s3, s9  }
0x44: {  	[hbm4b:s9+s6] =	stream.linear.scatter [tilespmem:s12], [sflag:$0x2], $0x4000, $0x38;
	[tilespmem:$0x10000] =	vst v63  }
.LBB1_8:
0x45: {  	_ =	sfence.sel $0x180000  }
0x46: {  	s2 =	simm.s32 $0x1;
	[bflag:$0x0] =	sbarrier.arrive $0xFFFF  }
0x47: {  	s31 =	simm.s32 $0x2;
	[sflag:s2] =	ssyncpa.u1 $0x1  }
0x48: {  	[sflag:s31] =	ssyncpa.u1 $0x1  }
0x49: {  	p0 =	sne.s32 s1, $0x0;
	_ =	strace $0x9000004A  }
0x4a: {  	s0 =	sadd.s32 @!p0 $0x100000, s0;
	[bflag:$0x2] =	sbarrier.arrive $0xFFFF  }
0x4b: {  	[sflag:s0] =	ssyncadd.tile.s32 @!p0 $0x1;
	_ =	shalt  }
.Lfunc_end1:
_tile_overlayer_lowered:
.L_overlay_start_2:
0x4c: {  	(tag) =	ssettag $0x2  }
0x4d: {  	s0 =	rddreg [dreg:$0x0];
	s2 =	stileid.u32  }
0x4e: {  	s1 =	rddreg [dreg:$0x1];
	p0 =	sne.s32 s2, $0x0  }
0x4f: {  	s3 =	rddreg [dreg:$0x2];
	[bflag:$0x3] =	sbarrier.arrive $0xFFFF;
	s2 =	simm.s32 @!p0 $0x1C01  }
0x50: {  	[timem:s3], [sflag:s2] =	dma.local @!p0 [hbm:s0], s1  }
0x51: {  	s0 =	simm.s32 @!p0 $0x1  }
0x52: {  	_ =	swait.ge @!p0 [sflag:s0], s1  }
0x53: {  	s1 =	ssub.s32 @!p0 $0x0, s1;
	[sflag:s0] =	ssyncset.done @!p0 $0x0  }
0x54: {  	[sflag:s0] =	ssyncadd.s32 @!p0 s1  }
0x55: {  	[bflag:$0x3] =	sbarrier.arrive $0xFFFF  }
0x56: {  	_ =	shalt  }

// kernel: sparse-core-data-format-call.cloned.1.call-start
scs
called_computation_lowered:
.L_overlay_start_0:
0x0: {  	s2 =	sld [smem:$0x3FD9]  }
0x1: {  	s3 =	sld [smem:$0x3FFE];
	_ =	sdelay $0x1  }
0x2: {  	s1 =	srdreg.scid  }
0x3: {  	s0 =	sand.u32 $0x1, s1  }
0x4: {  	s19 =	sshll.u32 s0, $0xA;
	s2 =	sadd.s32 s3, s2  }
0x5: {  	s2 =	sadd.s32 s2, s19  }
0x6: {  	[smem:$0x3FC6] =	sst s2  }
0x7: {  	_ = 	snop  }
0x8: {  	s2 =	sld [smem:$0x3FC8]  }
0x9: {  	s20 =	sld [smem:$0x3FD0];
	(tm) =	ssettm $0x1  }
0xa: {  	s4 =	sld [smem:$0x3FFB];
	_ =	sdelay $0x3  }
0xb: {  	_ =	strace s4  }
0xc: {  	s4 =	sld [smem:$0x3FFC];
	_ =	sdelay $0x3  }
0xd: {  	_ =	strace s4  }
0xe: {  	s4 =	sld [smem:$0x3FFD];
	_ =	sdelay $0x3  }
0xf: {  	_ =	strace s4  }
0x10: {  	_ =	strace $0x8FFFFFFF  }
0x11: {  	s21 =	sld [smem:$0x3FDB];
	_ =	sdelay $0x1  }
0x12: {  	s5 =	simm.s32 $_scs_section_size  }
0x13: {  	s6 =	simm.s32 $_size__tile_overlayer_lowered;
	s7 =	simm.s32 $_tile_overlayer_lowered  }
0x14: {  	s24 =	simm.s32 $0x1BFF;
	s23 =	sshll.u32 s7, $0x1;
	s4 =	sadd.s32 s5, s21  }
0x15: {  	s8 =	simm.s32 $0x0;
	s22 =	sshll.u32 s6, $0x1;
	s6 =	sadd.s32 s23, s4  }
0x16: {  	[timem:s8], [sflag:s24] =	dma.local [hbm:s6], s22  }
0x17: {  	_ =	swait.ge [sflag:s24], s22  }
0x18: {  	s5 =	ssub.s32 $0x0, s22;
	[sflag:s24] =	ssyncset.done $0x0  }
0x19: {  	[sflag:s24] =	ssyncadd.s32 s5;
	_ =	sdelay $0x1  }
0x1a: {  	s25 =	simm.s32 $0x1B8B  }
0x1b: {  	_ =	swait.ge [sflag:s25], $0x1  }
0x1c: {  	[sflag:s25] =	ssyncset.done $0x0  }
0x1d: {  	s26 =	simm.s32 $0x1B8E;
	[sflag:s25] =	ssyncadd.s32 $0xFFFFFFFF  }
0x1e: {  	s27 =	simm.s32 $execute0_lowered;
	[smem:$0x3FD2] =	sst s26  }
0x1f: {  	s5 =	sshll.u32 s27, $0x1;
	_ =	strace $0x80000046;
	[dreg:$0x1] =	wrdreg $0xFFFFFFFF  }
0x20: {  	s28 =	simm.s32 $_size_execute0_lowered;
	s4 =	sadd.s32 s4, s5;
	[dreg:$0x0] =	wrdreg $0x0  }
0x21: {  	s5 =	sshll.u32 s28, $0x1;
	[dreg:$0x2] =	wrdreg s4  }
0x22: {  	[dreg:$0x3] =	wrdreg s5  }
0x23: {  	[dreg:$0x4] =	wrdreg $0xC0  }
0x24: {  	_ =	task [dreg:s8], $0x5FFFF  }
0x25: {  	[dreg:$0x1] =	wrdreg $0xFFFFFFFF  }
0x26: {  	[dreg:$0x0] =	wrdreg $0x60  }
0x27: {  	[dreg:$0x2] =	wrdreg s2  }
0x28: {  	[dreg:$0x3] =	wrdreg s20  }
0x29: {  	[dreg:$0x4] =	wrdreg $0x9  }
0x2a: {  	_ =	task.clear_ibuf [dreg:s8], $0x5FFFF;
	_ =	strace $0x90000046  }
0x2b: {  	s29 =	simm.s32 $0x9;
	_ =	strace $0x80000048  }
0x2c: {  	_ =	swait.ge [sflag:s29], $0x1  }
0x2d: {  	[sflag:s29] =	ssyncadd.s32 $0xFFFFFFFF  }
0x2e: {  	_ =	strace $0x90000048  }
0x2f: {  	_ =	sfence  }
0x30: {  	s30 =	sld [smem:$0x0];
	_ =	sdelay $0x2  }
0x31: {  	s31 =	sshll.u32 s1, $0xD;
	s1 =	sshrl.u32 s1, $0x2  }
0x32: {  	s3 =	sand.u32 $0x4000, s31;
	s1 =	sadd.s32 s1, s30  }
0x33: {  	s0 =	sor.u32 s3, s0;
	s1 =	sshll.u32 s1, $0x11  }
0x34: {  	s0 =	sor.u32 s1, s0  }
0x35: {  	s0 =	sadd.s32 $0x8F2B, s0  }
0x36: {  	[sflag:s0] =	ssyncadd.remote.s32 $0x1  }
0x37: {  	_ =	sfence.sel $0xFFFF  }
0x38: {  	[dreg:$0x0] =	wrdreg $0xFFFFFFFF;
	(pc) =	sbr.abs _section_cstart, $3  }
0x39: {  	[dreg:$0x1] =	wrdreg $0xFFFFFFFF  }
0x3a: {  	_ =	task.clear_ibuf [dreg:s8], $0x2FFFF;
	_ =	strace $0x9FFFFFFF  }
0x3b: {  	(tm) =	ssettm $0x7FFFFFFF  }
tec
execute0_lowered:
.L_overlay_start_1:
0x0: {  	(tag) =	ssettag $0x1  }
0x1: {  	s2 =	rddreg [dreg:$0x0]  }
0x2: {  	s3 =	rddreg [dreg:$0x1]  }
0x3: {  	s0 =	rddreg [dreg:$0x2];
	s4 =	srdreg.scid  }
.Ltmp0:
0x4: {  	_ =	strace $0x80000047;
	s1 =	stileid.u32;
	(pc) =	sbr.rel .LBB1_1-.Ltmp0, $4  }
0x5: {  	s6 =	simm.s32 $0x2;
	p0 =	por $0x0, $0x0;
	s5 =	sshll.u32 s4, $0x4  }
0x6: {  	s9 =	simm.s32 $0x0;
	s4 =	simm.s32 $0x1;
	s5 =	sand.u32 $0x10, s5  }
0x7: {  	s7 =	simm.s32 $0x0;
	[sflag:s4] =	ssyncpa.u1 $0x0;
	s5 =	sor.u32 s1, s5  }
0x8: {  	[sflag:s6] =	ssyncpa.u1 $0x0;
	s6 =	simm.s32 $0x0;
	s8 =	smov.u32 s5  }
.LBB1_7:
0x9: {  	s11 =	sadd.s32 $0x20, s8  }
0xa: {  	p1 =	slt.u32 s7, $0x2;
	s7 =	sadd.s32 $0x1, s7;
	p2 =	sgt.s32 s11, $0x1FF  }
0xb: {  	s11 =	smov.u32 @p2 s5;
	p2 =	sne.s32 s7, $0x12  }
.Ltmp1:
0xc: {  	_ = 	snop;
	(pc) =	sbr.rel @!p2 .LBB1_8-.Ltmp1, $4  }
0xd: {  	s10 =	simm.s32 @!p1 $0x2  }
0xe: {  	_ =	swait.ge @!p1 [sflag:s10], $0x4000  }
0xf: {  	s9 =	smov.u32 s8;
	[sflag:s10] =	ssyncset.done @!p1 $0x0  }
0x10: {  	p0 =	por !p0, !p0;
	s8 =	smov.u32 s11;
	[sflag:s10] =	ssyncadd.s32 @!p1 $0xFFFFC000  }
.LBB1_1:
0x11: {  	p1 =	sgt.u32 s7, $0xF  }
0x12: {  	s10 =	sxor.u32 @!p1 $0xFFFFFFFF, s7  }
0x13: {  	s11 =	sshll.u32 @!p1 s8, $0xB;
	s10 =	sshll.u32 @!p1 s10, $0xE  }
0x14: {  	s12 =	simm.s32 @!p1 $0x0;
	s11 =	sadd.s32 @!p1 s2, s11;
	s10 =	sand.u32 @!p1 $0x4000, s10  }
0x15: {  	[tilespmem:s10], [sflag:$0x1] =	stream.linear.gather @!p1 [hbm4b:s11+s12], $0x4000, $0x38;
	[tilespmem:$0x10000] =	vst v63  }
0x16: {  	p1 =	seq.s32 s7, $0x0  }
0x17: {  	p2 =	seq.s32 @!p1 s7, $0x11  }
0x18: {  	p1 =	por p1, p2  }
.Ltmp2:
0x19: {  	_ = 	snop;
	(pc) =	sbr.rel @p1 .LBB1_7-.Ltmp2, $1  }
0x1a: {  	_ =	sdelay $0x3  }
0x1b: {  	s10 =	simm.s32 $0x1;
	_ =	swait.ge [sflag:s4], $0x4000;
	s12 =	sshll.u32 s7, $0xE  }
0x1c: {  	s13 =	simm.s32 $0x0;
	s10 =	simm.s32 @!p0 $0x0;
	[sflag:s4] =	ssyncset.done $0x0  }
0x1d: {  	s12 =	sand.u32 $0x4000, s12;
	s11 =	sshll.u32 s10, $0xE;
	[sflag:s4] =	ssyncadd.s32 $0xFFFFC000  }
0x1e: {  	s12 =	sor.u32 $0x8000, s12;
	s10 =	sor.u32 $0x8040, s11;
	s11 =	sor.u32 $0x40, s11  }
.LBB1_3:
0x1f: {  	v0 =	vmov s11;
	_ =	sdelay $0x3  }
0x20: {  	s15 =	simm.s32 $0x0  }
0x21: {  	v6 =	vld.idx.msk [tilespmem:v0+s15+$0x30 ss:$0x1], $0xffff  }
0x22: {  	v7 =	vld.idx.msk [tilespmem:v0+s15+$0xFFFFFFC0 ss:$0x1], $0xffff  }
0x23: {  	v5 =	vld.idx.msk [tilespmem:v0+s15+$0xFFFFFFD0 ss:$0x1], $0xffff  }
0x24: {  	v4 =	vld.idx.msk [tilespmem:v0+s15+$0xFFFFFFE0 ss:$0x1], $0xffff  }
0x25: {  	v3 =	vld.idx.msk [tilespmem:v0+s15+$0xFFFFFFF0 ss:$0x1], $0xffff  }
0x26: {  	v1 =	vld.idx.msk [tilespmem:v0+s15+$0x0 ss:$0x1], $0xffff  }
0x27: {  	v2 =	vld.idx.msk [tilespmem:v0+s15+$0x10 ss:$0x1], $0xffff;
	[tilespmem:s10+$0x30] =	vst v6  }
0x28: {  	s14 =	simm.s32 $0x80;
	s16 =	simm.s32 $0x400;
	[tilespmem:s10+$0xFFFFFFC0] =	vst v7;
	v6 =	vld.idx.msk [tilespmem:v0+s15+$0x20 ss:$0x1], $0xffff;
	s15 =	smov.u32 s10  }
.LBB1_4:
0x29: {  	p1 =	sne.s32 s16, $0xE00;
	v7 =	vld.idx.msk [tilespmem:v0+s14+$0x30 ss:$0x1], $0xffff;
	[tilespmem:s15+$0xFFFFFFD0] =	vst v5  }
0x2a: {  	v8 =	vld.idx.msk [tilespmem:v0+s14+$0xFFFFFFC0 ss:$0x1], $0xffff;
	[tilespmem:s15+$0xFFFFFFE0] =	vst v4  }
0x2b: {  	v5 =	vld.idx.msk [tilespmem:v0+s14+$0xFFFFFFD0 ss:$0x1], $0xffff;
	[tilespmem:s15+$0xFFFFFFF0] =	vst v3  }
.Ltmp3:
0x2c: {  	v4 =	vld.idx.msk [tilespmem:v0+s14+$0xFFFFFFE0 ss:$0x1], $0xffff;
	[tilespmem:s15+$0x0] =	vst v1;
	(pc) =	sbr.rel @p1 .LBB1_4-.Ltmp3, $4  }
0x2d: {  	v3 =	vld.idx.msk [tilespmem:v0+s14+$0xFFFFFFF0 ss:$0x1], $0xffff;
	[tilespmem:s15+$0x10] =	vst v2  }
0x2e: {  	v1 =	vld.idx.msk [tilespmem:v0+s14+$0x0 ss:$0x1], $0xffff;
	[tilespmem:s15+$0x20] =	vst v6;
	s15 =	sadd.s32 $0x800, s15  }
0x2f: {  	v2 =	vld.idx.msk [tilespmem:v0+s14+$0x10 ss:$0x1], $0xffff;
	[tilespmem:s15+$0x30] =	vst v7  }
0x30: {  	[tilespmem:s15+$0xFFFFFFC0] =	vst v8;
	v6 =	vld.idx.msk [tilespmem:v0+s14+$0x20 ss:$0x1], $0xffff;
	s14 =	sshra.s32 s16, $0x2;
	s16 =	sadd.s32 $0x200, s16  }
0x31: {  	_ =	sdelay $0x2  }
0x32: {  	[tilespmem:s15+$0xFFFFFFD0] =	vst v5  }
0x33: {  	v56 =	vld.idx.msk [tilespmem:v0+s14+$0x30 ss:$0x1], $0xffff;
	[tilespmem:s15+$0xFFFFFFE0] =	vst v4  }
0x34: {  	v57 =	vld.idx.msk [tilespmem:v0+s14+$0xFFFFFFC0 ss:$0x1], $0xffff;
	[tilespmem:s15+$0xFFFFFFF0] =	vst v3  }
0x35: {  	v58 =	vld.idx.msk [tilespmem:v0+s14+$0xFFFFFFD0 ss:$0x1], $0xffff;
	[tilespmem:s15+$0x0] =	vst v1  }
0x36: {  	v59 =	vld.idx.msk [tilespmem:v0+s14+$0xFFFFFFE0 ss:$0x1], $0xffff;
	[tilespmem:s15+$0x10] =	vst v2  }
0x37: {  	v60 =	vld.idx.msk [tilespmem:v0+s14+$0xFFFFFFF0 ss:$0x1], $0xffff;
	s31 =	sadd.s32 $0x800, s15;
	[tilespmem:s15+$0x20] =	vst v6  }
0x38: {  	v61 =	vld.idx.msk [tilespmem:v0+s14+$0x0 ss:$0x1], $0xffff;
	[tilespmem:s31+$0x30] =	vst v56  }
0x39: {  	v62 =	vld.idx.msk [tilespmem:v0+s14+$0x10 ss:$0x1], $0xffff;
	s13 =	sadd.s32 $0x1, s13;
	[tilespmem:s31+$0xFFFFFFC0] =	vst v57  }
0x3a: {  	v63 =	vld.idx.msk [tilespmem:v0+s14+$0x20 ss:$0x1], $0xffff;
	p1 =	sne.s32 s13, $0x10;
	[tilespmem:s31+$0xFFFFFFD0] =	vst v58  }
.Ltmp4:
0x3b: {  	[tilespmem:s31+$0xFFFFFFE0] =	vst v59;
	(pc) =	sbr.rel @p1 .LBB1_3-.Ltmp4, $4  }
0x3c: {  	[tilespmem:s31+$0xFFFFFFF0] =	vst v60  }
0x3d: {  	[tilespmem:s31+$0x0] =	vst v61  }
0x3e: {  	[tilespmem:s31+$0x10] =	vst v62  }
0x3f: {  	s10 =	sadd.s32 $0x80, s10;
	s11 =	sadd.s32 $0x400, s11;
	[tilespmem:s31+$0x20] =	vst v63  }
.Ltmp5:
0x40: {  	(pc) =	sbr.rel .LBB1_7-.Ltmp5, $4  }
0x41: {  	_ = 	snop  }
0x42: {  	s9 =	sshll.u32 s9, $0xB  }
0x43: {  	s9 =	sadd.s32 s3, s9  }
0x44: {  	[hbm4b:s9+s6] =	stream.linear.scatter [tilespmem:s12], [sflag:$0x2], $0x4000, $0x38;
	[tilespmem:$0x10000] =	vst v63  }
.LBB1_8:
0x45: {  	_ =	sfence.sel $0x180000  }
0x46: {  	s2 =	simm.s32 $0x1;
	[bflag:$0x0] =	sbarrier.arrive $0xFFFF  }
0x47: {  	s31 =	simm.s32 $0x2;
	[sflag:s2] =	ssyncpa.u1 $0x1  }
0x48: {  	[sflag:s31] =	ssyncpa.u1 $0x1  }
0x49: {  	p0 =	sne.s32 s1, $0x0;
	_ =	strace $0x90000047  }
0x4a: {  	s0 =	sadd.s32 @!p0 $0x100000, s0;
	[bflag:$0x2] =	sbarrier.arrive $0xFFFF  }
0x4b: {  	[sflag:s0] =	ssyncadd.tile.s32 @!p0 $0x1;
	_ =	shalt  }
.Lfunc_end1:
_tile_overlayer_lowered:
.L_overlay_start_2:
0x4c: {  	(tag) =	ssettag $0x2  }
0x4d: {  	s0 =	rddreg [dreg:$0x0];
	s2 =	stileid.u32  }
0x4e: {  	s1 =	rddreg [dreg:$0x1];
	p0 =	sne.s32 s2, $0x0  }
0x4f: {  	s3 =	rddreg [dreg:$0x2];
	[bflag:$0x3] =	sbarrier.arrive $0xFFFF;
	s2 =	simm.s32 @!p0 $0x1C01  }
0x50: {  	[timem:s3], [sflag:s2] =	dma.local @!p0 [hbm:s0], s1  }
0x51: {  	s0 =	simm.s32 @!p0 $0x1  }
0x52: {  	_ =	swait.ge @!p0 [sflag:s0], s1  }
0x53: {  	s1 =	ssub.s32 @!p0 $0x0, s1;
	[sflag:s0] =	ssyncset.done @!p0 $0x0  }
0x54: {  	[sflag:s0] =	ssyncadd.s32 @!p0 s1  }
0x55: {  	[bflag:$0x3] =	sbarrier.arrive $0xFFFF  }
0x56: {  	_ =	shalt  }

</sc_bundles>
